<compile_context>
chip_gen: v7x
topology: tpu7x:2x2x1
jax: 0.10.2.dev20260603
libtpu: 0.0.44.dev20260713+nightly
codegen_flags: <defaults>
</compile_context>

<pallas_src>
import functools

import jax
import jax.numpy as jnp
from jax.experimental import pallas as pl
from jax.experimental.pallas import tpu as pltpu

RADIUS = 0.2
NS = 32
C = 64
QB = 128
CB = 512
NEG = -3.0e38


def _pre_body(s2t_ref, x1t_ref, p1p_ref, p2p_ref, wst_ref, wxt_ref,
              wdt_ref, b_ref, g_ref, base_ref):
    s2t = s2t_ref[0]
    x1t = x1t_ref[0]
    p1p = p1p_ref[0]
    p2p = p2p_ref[0]
    wst = wst_ref[...]
    wxt = wxt_ref[...]
    wdt = wdt_ref[...]
    bb = b_ref[...]
    f32 = jnp.float32
    g = (jnp.dot(s2t, wst, preferred_element_type=f32)
         + jnp.dot(p2p, wdt, preferred_element_type=f32))
    base = (jnp.dot(x1t, wxt, preferred_element_type=f32)
            - jnp.dot(p1p, wdt, preferred_element_type=f32) + bb)
    g_ref[0] = g
    base_ref[0] = base


def _bq_body(p1p_ref, p2t_ref, g_ref, basen_ref, out_ref):
    p1 = p1p_ref[0]
    n = p2t_ref.shape[2]
    rsq = jnp.float32(RADIUS * RADIUS)

    ri = jax.lax.broadcasted_iota(jnp.int32, (CB, CB), 0)
    ci = jax.lax.broadcasted_iota(jnp.int32, (CB, CB), 1)
    tri = (ri <= ci).astype(jnp.float32)

    nchunks = n // CB

    def cond(carry):
        c, _, cnt = carry
        return jnp.logical_and(c < nchunks, jnp.min(cnt) < float(NS))

    def chunk(carry):
        c, m, cnt = carry
        p2c = p2t_ref[0, :, pl.ds(c * CB, CB)]
        d2 = jnp.zeros((QB, CB), jnp.float32)
        for d in range(3):
            diff = p1[:, d:d + 1] - p2c[d:d + 1, :]
            d2 = d2 + diff * diff
        mc = (d2 < rsq).astype(jnp.float32)
        cs = jnp.dot(mc, tri, preferred_element_type=jnp.float32)
        rank = cnt + cs - mc
        inc = jnp.logical_and(mc > 0.0, rank < float(NS))
        pen = jnp.where(inc, 0.0, jnp.float32(NEG)).astype(jnp.bfloat16)
        gc = g_ref[0, pl.ds(c * CB, CB), :].astype(jnp.bfloat16)
        vals = gc[None, :, :] + pen[:, :, None]
        m = jnp.maximum(m, jnp.max(vals, axis=1).astype(jnp.float32))
        cnt = cnt + cs[:, CB - 1:CB]
        return c + 1, m, cnt

    m0 = jnp.full((QB, C), jnp.float32(NEG))
    cnt0 = jnp.zeros((QB, 1), jnp.float32)
    _, m, cnt = jax.lax.while_loop(cond, chunk, (0, m0, cnt0))

    g0 = g_ref[0, 0:1, :]
    m = jnp.where(cnt > 0.0, m, g0)
    out_ref[0] = jnp.maximum(m + basen_ref[0], 0.0)


@jax.jit
def kernel(P1, P2, X1, S2, W, b):
    B, N, _ = P1.shape
    f32 = jnp.float32

    ext = (jnp.minimum(P1 + RADIUS, 1.0)
           - jnp.maximum(P1 - RADIUS, 0.0))
    proxy = ext[..., 0] * ext[..., 1] * ext[..., 2]
    order = jnp.argsort(-proxy, axis=1)
    P1 = jnp.take_along_axis(P1, order[:, :, None], axis=1)

    zpad = jnp.zeros((B, N, 5), f32)
    P1p = jnp.concatenate([P1, zpad], axis=-1)
    P2p = jnp.concatenate([P2, zpad], axis=-1)
    P2pT = jnp.transpose(P2p, (0, 2, 1))
    S2T = jnp.transpose(S2, (0, 2, 1))
    X1T = jnp.take_along_axis(jnp.transpose(X1, (0, 2, 1)),
                              order[:, :, None], axis=1)
    WsT = jnp.transpose(W[:, :C])
    WxT = jnp.transpose(W[:, C:2 * C])
    WdT = jnp.concatenate([jnp.transpose(W[:, 2 * C:]),
                           jnp.zeros((5, C), f32)], axis=0)
    brow = b[None, :]

    g, base = pl.pallas_call(
        _pre_body,
        grid=(B,),
        in_specs=[
            pl.BlockSpec((1, N, C), lambda bi: (bi, 0, 0)),
            pl.BlockSpec((1, N, C), lambda bi: (bi, 0, 0)),
            pl.BlockSpec((1, N, 8), lambda bi: (bi, 0, 0)),
            pl.BlockSpec((1, N, 8), lambda bi: (bi, 0, 0)),
            pl.BlockSpec((C, C), lambda bi: (0, 0)),
            pl.BlockSpec((C, C), lambda bi: (0, 0)),
            pl.BlockSpec((8, C), lambda bi: (0, 0)),
            pl.BlockSpec((1, C), lambda bi: (0, 0)),
        ],
        out_specs=[
            pl.BlockSpec((1, N, C), lambda bi: (bi, 0, 0)),
            pl.BlockSpec((1, N, C), lambda bi: (bi, 0, 0)),
        ],
        out_shape=[
            jax.ShapeDtypeStruct((B, N, C), f32),
            jax.ShapeDtypeStruct((B, N, C), f32),
        ],
    )(S2T, X1T, P1p, P2p, WsT, WxT, WdT, brow)

    outn = pl.pallas_call(
        _bq_body,
        grid=(B, N // QB),
        in_specs=[
            pl.BlockSpec((1, QB, 8), lambda bi, qi: (bi, qi, 0)),
            pl.BlockSpec((1, 8, N), lambda bi, qi: (bi, 0, 0)),
            pl.BlockSpec((1, N, C), lambda bi, qi: (bi, 0, 0)),
            pl.BlockSpec((1, QB, C), lambda bi, qi: (bi, qi, 0)),
        ],
        out_specs=pl.BlockSpec((1, QB, C), lambda bi, qi: (bi, qi, 0)),
        out_shape=jax.ShapeDtypeStruct((B, N, C), f32),
    )(P1p, P2pT, g, base)

    outu = jnp.zeros_like(outn).at[
        jnp.arange(B)[:, None], order].set(outn)
    return jnp.transpose(outu, (0, 2, 1))

# --- scband reference (transcript-rebuilt; emitter-appended) ---
"""Pipeline reference for scband-point-spatio-temporal-correlation-73735998538273 (READ-ONLY COPY).

The authoritative reference and input builder live on the scoring server;
editing this copy changes nothing except your own understanding.
"""

import jax, jax.numpy as jnp
import numpy as np

RADIUS = 0.2
NSAMPLES = 32
IN_CH = 64
OUT_CH = 64


def setup_inputs(seed: int = 0) -> dict:
    key = jax.random.key(seed)
    k1, k2, k3, k4, k5, k6 = jax.random.split(key, 6)
    B, N = 2, 4096
    P1 = jax.random.uniform(k1, (B, N, 3), dtype=jnp.float32)
    P2 = jax.random.uniform(k2, (B, N, 3), dtype=jnp.float32)
    X1 = jax.random.normal(k3, (B, IN_CH, N), dtype=jnp.float32)
    S2 = jax.random.normal(k4, (B, IN_CH, N), dtype=jnp.float32)
    # fc: Conv2d(in_channels*2+3, out_channels, kernel_size=1) -> weight (OUT, 2*IN+3), bias (OUT,)
    W = jax.random.normal(k5, (OUT_CH, IN_CH * 2 + 3), dtype=jnp.float32) * 0.05
    b = jax.random.normal(k6, (OUT_CH,), dtype=jnp.float32) * 0.01
    return {"P1": P1, "P2": P2, "X1": X1, "S2": S2, "W": W, "b": b}


def ball_query(radius, nsamples, P2, P1):
    # P2: data points (B, N, 3); P1: query points (B, N, 3) -> idx (B, N, nsamples) int32
    # Faithful to pointnet2 CUDA ball_query: first `nsamples` points within radius,
    # slots padded with the first-found index; all zeros if no neighbor.
    d2 = jnp.sum((P1[:, :, None, :] - P2[:, None, :, :]) ** 2, axis=-1)  # (B, Nq, Nd)
    Nd = P2.shape[1]
    ar = jnp.arange(Nd, dtype=jnp.int32)
    masked = jnp.where(d2 < radius * radius, ar[None, None, :], Nd)  # sentinel = Nd
    neg_vals, _ = jax.lax.top_k(-masked, nsamples)  # smallest nsamples valid indices
    idx = -neg_vals  # (B, Nq, nsamples), ascending
    first = idx[..., :1]
    first = jnp.where(first == Nd, 0, first)
    idx = jnp.where(idx == Nd, first, idx)
    return idx


def grouping_operation(features, idx):
    # features: (B, C, N), idx: (B, Nq, ns) -> (B, C, Nq, ns)
    def g(feat, ind):
        return feat[:, ind]
    return jax.vmap(g)(features, idx)


def reference(P1, P2, X1, S2, W, b):
    idx = ball_query(RADIUS, NSAMPLES, P2, P1)
    P2_flipped = jnp.transpose(P2, (0, 2, 1))  # (B, 3, N)
    P2_grouped = grouping_operation(P2_flipped, idx)  # (B, 3, N, ns)
    S2_grouped = grouping_operation(S2, idx)  # (B, C, N, ns)
    P1_flipped = jnp.transpose(P1, (0, 2, 1))  # (B, 3, N)
    P1_expanded = P1_flipped[:, :, :, None]  # (B, 3, N, 1)
    displacement = P2_grouped - P1_expanded  # (B, 3, N, ns)
    X1_expanded = X1[:, :, :, None]
    X1_repeated = jnp.repeat(X1_expanded, NSAMPLES, axis=3)  # (B, C, N, ns)
    correlation = jnp.concatenate([S2_grouped, X1_repeated, displacement], axis=1)  # (B, 2C+3, N, ns)
    S1 = jnp.einsum('oi,binq->bonq', W, correlation) + b[None, :, None, None]
    S1 = jax.nn.relu(S1)
    S1 = jnp.max(S1, axis=-1)  # (B, OUT_CH, N)
    return S1

if __name__ == "__main__":
    import jax
    _d = setup_inputs()
    print(jax.jit(kernel)(*tuple(_d.values())))

</pallas_src>

<mosaic_0001>
module attributes {stable_mosaic.version = 14 : i64} {
  func.func @_pre_body(%arg0: i32, %arg1: memref<1x4096x64xf32, #tpu.memory_space<vmem>>, %arg2: memref<1x4096x64xf32, #tpu.memory_space<vmem>>, %arg3: memref<1x4096x8xf32, #tpu.memory_space<vmem>>, %arg4: memref<1x4096x8xf32, #tpu.memory_space<vmem>>, %arg5: memref<64x64xf32, #tpu.memory_space<vmem>>, %arg6: memref<64x64xf32, #tpu.memory_space<vmem>>, %arg7: memref<8x64xf32, #tpu.memory_space<vmem>>, %arg8: memref<1x64xf32, #tpu.memory_space<vmem>>, %arg9: memref<1x4096x64xf32, #tpu.memory_space<vmem>>, %arg10: memref<1x4096x64xf32, #tpu.memory_space<vmem>>) attributes {dimension_semantics = [#tpu.dimension_semantics<arbitrary>], iteration_bounds = array<i64: 2>, scalar_prefetch = 0 : i64, scratch_operands = 0 : i64, tpu.core_type = #tpu.core_type<tc>, window_params = [{transform_indices = @transform_0, window_bounds = array<i64: 1, 4096, 64>}, {transform_indices = @transform_1, window_bounds = array<i64: 1, 4096, 64>}, {transform_indices = @transform_2, window_bounds = array<i64: 1, 4096, 8>}, {transform_indices = @transform_3, window_bounds = array<i64: 1, 4096, 8>}, {pipeline_mode = #tpu.pipeline_mode<synchronous>, transform_indices = @transform_4, window_bounds = array<i64: 64, 64>}, {pipeline_mode = #tpu.pipeline_mode<synchronous>, transform_indices = @transform_5, window_bounds = array<i64: 64, 64>}, {pipeline_mode = #tpu.pipeline_mode<synchronous>, transform_indices = @transform_6, window_bounds = array<i64: 8, 64>}, {pipeline_mode = #tpu.pipeline_mode<synchronous>, transform_indices = @transform_7, window_bounds = array<i64: 1, 64>}, {transform_indices = @transform_8, window_bounds = array<i64: 1, 4096, 64>}, {transform_indices = @transform_9, window_bounds = array<i64: 1, 4096, 64>}]} {
    %get3A = arith.constant 0 : index
    %get3A_0 = arith.constant 0 : index
    %get3A_1 = arith.constant 0 : index
    %get3A_2 = vector.load %arg1[%get3A, %get3A_0, %get3A_1] : memref<1x4096x64xf32, #tpu.memory_space<vmem>>, vector<1x4096x64xf32>
    %get3A_3 = vector.shape_cast %get3A_2 : vector<1x4096x64xf32> to vector<4096x64xf32>
    %get3A_4 = arith.constant 0 : index
    %get3A_5 = arith.constant 0 : index
    %get3A_6 = arith.constant 0 : index
    %get3A_7 = vector.load %arg2[%get3A_4, %get3A_5, %get3A_6] : memref<1x4096x64xf32, #tpu.memory_space<vmem>>, vector<1x4096x64xf32>
    %get3A_8 = vector.shape_cast %get3A_7 : vector<1x4096x64xf32> to vector<4096x64xf32>
    %get3A_9 = arith.constant 0 : index
    %get3A_10 = arith.constant 0 : index
    %get3A_11 = arith.constant 0 : index
    %get3A_12 = vector.load %arg3[%get3A_9, %get3A_10, %get3A_11] : memref<1x4096x8xf32, #tpu.memory_space<vmem>>, vector<1x4096x8xf32>
    %get3A_13 = vector.shape_cast %get3A_12 : vector<1x4096x8xf32> to vector<4096x8xf32>
    %get3A_14 = arith.constant 0 : index
    %get3A_15 = arith.constant 0 : index
    %get3A_16 = arith.constant 0 : index
    %get3A_17 = vector.load %arg4[%get3A_14, %get3A_15, %get3A_16] : memref<1x4096x8xf32, #tpu.memory_space<vmem>>, vector<1x4096x8xf32>
    %get3A_18 = vector.shape_cast %get3A_17 : vector<1x4096x8xf32> to vector<4096x8xf32>
    %get3A_19 = arith.constant 0 : index
    %get3A_20 = arith.constant 0 : index
    %get3A_21 = vector.load %arg5[%get3A_19, %get3A_20] : memref<64x64xf32, #tpu.memory_space<vmem>>, vector<64x64xf32>
    %get3A_22 = arith.constant 0 : index
    %get3A_23 = arith.constant 0 : index
    %get3A_24 = vector.load %arg6[%get3A_22, %get3A_23] : memref<64x64xf32, #tpu.memory_space<vmem>>, vector<64x64xf32>
    %get3A_25 = arith.constant 0 : index
    %get3A_26 = arith.constant 0 : index
    %get3A_27 = vector.load %arg7[%get3A_25, %get3A_26] : memref<8x64xf32, #tpu.memory_space<vmem>>, vector<8x64xf32>
    %get3A_28 = arith.constant 0 : index
    %get3A_29 = arith.constant 0 : index
    %get3A_30 = vector.load %arg8[%get3A_28, %get3A_29] : memref<1x64xf32, #tpu.memory_space<vmem>>, vector<1x64xf32>
    %dot_general3A = arith.constant dense<0.000000e+00> : vector<4096x64xf32>
    %dot_general3A_31 = tpu.matmul %get3A_3, %get3A_21, %dot_general3A {dimension_numbers = #tpu.dot_dimension_numbers<[1], [0], [0], [1], [0, 0, 1, 1], [], []>, transpose_lhs_hint = false} : vector<4096x64xf32>, vector<64x64xf32>, vector<4096x64xf32> -> vector<4096x64xf32>
    %dot_general3A_32 = arith.constant dense<0.000000e+00> : vector<4096x64xf32>
    %dot_general3A_33 = tpu.matmul %get3A_18, %get3A_27, %dot_general3A_32 {dimension_numbers = #tpu.dot_dimension_numbers<[1], [0], [0], [1], [0, 0, 1, 1], [], []>, transpose_lhs_hint = false} : vector<4096x8xf32>, vector<8x64xf32>, vector<4096x64xf32> -> vector<4096x64xf32>
    %add3A = arith.addf %dot_general3A_31, %dot_general3A_33 : vector<4096x64xf32>
    %dot_general3A_34 = arith.constant dense<0.000000e+00> : vector<4096x64xf32>
    %dot_general3A_35 = tpu.matmul %get3A_8, %get3A_24, %dot_general3A_34 {dimension_numbers = #tpu.dot_dimension_numbers<[1], [0], [0], [1], [0, 0, 1, 1], [], []>, transpose_lhs_hint = false} : vector<4096x64xf32>, vector<64x64xf32>, vector<4096x64xf32> -> vector<4096x64xf32>
    %dot_general3A_36 = arith.constant dense<0.000000e+00> : vector<4096x64xf32>
    %dot_general3A_37 = tpu.matmul %get3A_13, %get3A_27, %dot_general3A_36 {dimension_numbers = #tpu.dot_dimension_numbers<[1], [0], [0], [1], [0, 0, 1, 1], [], []>, transpose_lhs_hint = false} : vector<4096x8xf32>, vector<8x64xf32>, vector<4096x64xf32> -> vector<4096x64xf32>
    %sub3A = arith.subf %dot_general3A_35, %dot_general3A_37 : vector<4096x64xf32>
    %add3A_38 = vector.broadcast %get3A_30 : vector<1x64xf32> to vector<4096x64xf32>
    %add3A_39 = arith.addf %sub3A, %add3A_38 : vector<4096x64xf32>
    %swap3A = arith.constant 0 : index
    %swap3A_40 = arith.constant 0 : index
    %swap3A_41 = arith.constant 0 : index
    %swap3A_42 = vector.load %arg9[%swap3A, %swap3A_40, %swap3A_41] : memref<1x4096x64xf32, #tpu.memory_space<vmem>>, vector<1x4096x64xf32>
    %swap3A_43 = vector.shape_cast %swap3A_42 : vector<1x4096x64xf32> to vector<4096x64xf32>
    %swap3A_44 = vector.shape_cast %add3A : vector<4096x64xf32> to vector<1x4096x64xf32>
    tpu.vector_store %arg9[%swap3A, %swap3A_40, %swap3A_41], %swap3A_44 {strides = array<i32>} : memref<1x4096x64xf32, #tpu.memory_space<vmem>>, vector<1x4096x64xf32>,
    %swap3A_45 = arith.constant 0 : index
    %swap3A_46 = arith.constant 0 : index
    %swap3A_47 = arith.constant 0 : index
    %swap3A_48 = vector.load %arg10[%swap3A_45, %swap3A_46, %swap3A_47] : memref<1x4096x64xf32, #tpu.memory_space<vmem>>, vector<1x4096x64xf32>
    %swap3A_49 = vector.shape_cast %swap3A_48 : vector<1x4096x64xf32> to vector<4096x64xf32>
    %swap3A_50 = vector.shape_cast %add3A_39 : vector<4096x64xf32> to vector<1x4096x64xf32>
    tpu.vector_store %arg10[%swap3A_45, %swap3A_46, %swap3A_47], %swap3A_50 {strides = array<i32>} : memref<1x4096x64xf32, #tpu.memory_space<vmem>>, vector<1x4096x64xf32>,
    return
  }
  func.func @transform_0(%arg0: i32) -> (i32, i32, i32) {
    %c0_i32 = arith.constant 0 : i32
    %c0_i32_0 = arith.constant 0 : i32
    %c0_i32_1 = arith.constant 0 : i32
    return %arg0, %c0_i32, %c0_i32_0 : i32, i32, i32
  }
  func.func @transform_1(%arg0: i32) -> (i32, i32, i32) {
    %c0_i32 = arith.constant 0 : i32
    %c0_i32_0 = arith.constant 0 : i32
    %c0_i32_1 = arith.constant 0 : i32
    return %arg0, %c0_i32, %c0_i32_0 : i32, i32, i32
  }
  func.func @transform_2(%arg0: i32) -> (i32, i32, i32) {
    %c0_i32 = arith.constant 0 : i32
    %c0_i32_0 = arith.constant 0 : i32
    %c0_i32_1 = arith.constant 0 : i32
    return %arg0, %c0_i32, %c0_i32_0 : i32, i32, i32
  }
  func.func @transform_3(%arg0: i32) -> (i32, i32, i32) {
    %c0_i32 = arith.constant 0 : i32
    %c0_i32_0 = arith.constant 0 : i32
    %c0_i32_1 = arith.constant 0 : i32
    return %arg0, %c0_i32, %c0_i32_0 : i32, i32, i32
  }
  func.func @transform_4(%arg0: i32) -> (i32, i32) {
    %c0_i32 = arith.constant 0 : i32
    %c0_i32_0 = arith.constant 0 : i32
    %c0_i32_1 = arith.constant 0 : i32
    return %c0_i32, %c0_i32_0 : i32, i32
  }
  func.func @transform_5(%arg0: i32) -> (i32, i32) {
    %c0_i32 = arith.constant 0 : i32
    %c0_i32_0 = arith.constant 0 : i32
    %c0_i32_1 = arith.constant 0 : i32
    return %c0_i32, %c0_i32_0 : i32, i32
  }
  func.func @transform_6(%arg0: i32) -> (i32, i32) {
    %c0_i32 = arith.constant 0 : i32
    %c0_i32_0 = arith.constant 0 : i32
    %c0_i32_1 = arith.constant 0 : i32
    return %c0_i32, %c0_i32_0 : i32, i32
  }
  func.func @transform_7(%arg0: i32) -> (i32, i32) {
    %c0_i32 = arith.constant 0 : i32
    %c0_i32_0 = arith.constant 0 : i32
    %c0_i32_1 = arith.constant 0 : i32
    return %c0_i32, %c0_i32_0 : i32, i32
  }
  func.func @transform_8(%arg0: i32) -> (i32, i32, i32) {
    %c0_i32 = arith.constant 0 : i32
    %c0_i32_0 = arith.constant 0 : i32
    %c0_i32_1 = arith.constant 0 : i32
    return %arg0, %c0_i32, %c0_i32_0 : i32, i32, i32
  }
  func.func @transform_9(%arg0: i32) -> (i32, i32, i32) {
    %c0_i32 = arith.constant 0 : i32
    %c0_i32_0 = arith.constant 0 : i32
    %c0_i32_1 = arith.constant 0 : i32
    return %arg0, %c0_i32, %c0_i32_0 : i32, i32, i32
  }
}

module attributes {stable_mosaic.version = 14 : i64} {
  func.func @_bq_body(%arg0: i32, %arg1: i32, %arg2: memref<1x128x8xf32, #tpu.memory_space<vmem>>, %arg3: memref<1x8x4096xf32, #tpu.memory_space<vmem>>, %arg4: memref<1x4096x64xf32, #tpu.memory_space<vmem>>, %arg5: memref<1x128x64xf32, #tpu.memory_space<vmem>>, %arg6: memref<1x128x64xf32, #tpu.memory_space<vmem>>) attributes {dimension_semantics = [#tpu.dimension_semantics<arbitrary>, #tpu.dimension_semantics<arbitrary>], iteration_bounds = array<i64: 2, 32>, scalar_prefetch = 0 : i64, scratch_operands = 0 : i64, tpu.core_type = #tpu.core_type<tc>, window_params = [{transform_indices = @transform_0, window_bounds = array<i64: 1, 128, 8>}, {transform_indices = @transform_1, window_bounds = array<i64: 1, 8, 4096>}, {transform_indices = @transform_2, window_bounds = array<i64: 1, 4096, 64>}, {transform_indices = @transform_3, window_bounds = array<i64: 1, 128, 64>}, {transform_indices = @transform_4, window_bounds = array<i64: 1, 128, 64>}]} {
    %get3A = arith.constant 0 : index
    %get3A_0 = arith.constant 0 : index
    %get3A_1 = arith.constant 0 : index
    %get3A_2 = vector.load %arg2[%get3A, %get3A_0, %get3A_1] : memref<1x128x8xf32, #tpu.memory_space<vmem>>, vector<1x128x8xf32>
    %get3A_3 = vector.shape_cast %get3A_2 : vector<1x128x8xf32> to vector<128x8xf32>
    %iota3A = tpu.iota {dimensions = array<i32: 0>} : vector<512x512xi32>
    %iota3A_4 = tpu.iota {dimensions = array<i32: 1>} : vector<512x512xi32>
    %le3A = arith.cmpi sle, %iota3A, %iota3A_4 : vector<512x512xi32>
    %convert_element_type3A = arith.extui %le3A : vector<512x512xi1> to vector<512x512xi32>
    %convert_element_type3A_5 = arith.sitofp %convert_element_type3A : vector<512x512xi32> to vector<512x512xf32>
    %broadcast_in_dim3A = arith.constant -3.000000e+38 : f32
    %broadcast_in_dim3A_6 = vector.broadcast %broadcast_in_dim3A : f32 to vector<128x64xf32>
    %broadcast_in_dim3A_7 = arith.constant 0.000000e+00 : f32
    %broadcast_in_dim3A_8 = vector.broadcast %broadcast_in_dim3A_7 : f32 to vector<128x1xf32>
    %while3A = arith.constant 4.000000e-02 : f32
    %while3A_9 = arith.constant 0 : i32
    %while3A_10:3 = scf.while (%while3A_34 = %while3A_9, %while3A_35 = %broadcast_in_dim3A_6, %while3A_36 = %broadcast_in_dim3A_8) : (i32, vector<128x64xf32>, vector<128x1xf32>) -> (i32, vector<128x64xf32>, vector<128x1xf32>) {
      %lt3A = arith.constant 8 : i32
      %lt3A_37 = arith.cmpi slt, %while3A_34, %lt3A : i32
      %reduce_min3A = vector.shape_cast %while3A_36 : vector<128x1xf32> to vector<1x128x1xf32>
      %reduce_min3A_38 = arith.constant dense<0x7F800000> : vector<1xf32>
      %reduce_min3A_39 = vector.multi_reduction <minimumf>, %reduce_min3A, %reduce_min3A_38 [1, 2] : vector<1x128x1xf32> to vector<1xf32>
      %reduce_min3A_40 = vector.shape_cast %reduce_min3A_39 : vector<1xf32> to vector<1x1x1xf32>
      %reduce_min3A_41 = vector.extract %reduce_min3A_40[0, 0, 0] : f32 from vector<1x1x1xf32>
      %lt3A_42 = arith.constant 3.200000e+01 : f32
      %lt3A_43 = arith.cmpf olt, %reduce_min3A_41, %lt3A_42 : f32
      %and3A = arith.andi %lt3A_37, %lt3A_43 : i1
      scf.condition(%and3A) %while3A_34, %while3A_35, %while3A_36 : i32, vector<128x64xf32>, vector<128x1xf32>
    } do {
    ^bb0(%while3A_34: i32, %while3A_35: vector<128x64xf32>, %while3A_36: vector<128x1xf32>):
      %mul3A = arith.constant 512 : i32
      %mul3A_37 = arith.muli %while3A_34, %mul3A : i32
      %get3A_38 = arith.constant 0 : index
      %get3A_39 = arith.constant 0 : index
      %get3A_40 = arith.index_cast %mul3A_37 : i32 to index
      %get3A_41 = vector.load %arg3[%get3A_38, %get3A_39, %get3A_40] : memref<1x8x4096xf32, #tpu.memory_space<vmem>>, vector<1x8x512xf32>
      %get3A_42 = vector.shape_cast %get3A_41 : vector<1x8x512xf32> to vector<8x512xf32>
      %broadcast_in_dim3A_43 = arith.constant 0.000000e+00 : f32
      %broadcast_in_dim3A_44 = vector.broadcast %broadcast_in_dim3A_43 : f32 to vector<128x512xf32>
      %slice3A = vector.extract_strided_slice %get3A_3 {offsets = [0, 0], sizes = [128, 1], strides = [1, 1]} : vector<128x8xf32> to vector<128x1xf32>
      %slice3A_45 = vector.extract_strided_slice %get3A_42 {offsets = [0, 0], sizes = [1, 512], strides = [1, 1]} : vector<8x512xf32> to vector<1x512xf32>
      %sub3A = vector.broadcast %slice3A : vector<128x1xf32> to vector<128x512xf32>
      %sub3A_46 = vector.broadcast %slice3A_45 : vector<1x512xf32> to vector<128x512xf32>
      %sub3A_47 = arith.subf %sub3A, %sub3A_46 : vector<128x512xf32>
      %mul3A_48 = arith.mulf %sub3A_47, %sub3A_47 : vector<128x512xf32>
      %add3A_49 = arith.addf %broadcast_in_dim3A_44, %mul3A_48 : vector<128x512xf32>
      %slice3A_50 = vector.extract_strided_slice %get3A_3 {offsets = [0, 1], sizes = [128, 1], strides = [1, 1]} : vector<128x8xf32> to vector<128x1xf32>
      %slice3A_51 = vector.extract_strided_slice %get3A_42 {offsets = [1, 0], sizes = [1, 512], strides = [1, 1]} : vector<8x512xf32> to vector<1x512xf32>
      %sub3A_52 = vector.broadcast %slice3A_50 : vector<128x1xf32> to vector<128x512xf32>
      %sub3A_53 = vector.broadcast %slice3A_51 : vector<1x512xf32> to vector<128x512xf32>
      %sub3A_54 = arith.subf %sub3A_52, %sub3A_53 : vector<128x512xf32>
      %mul3A_55 = arith.mulf %sub3A_54, %sub3A_54 : vector<128x512xf32>
      %add3A_56 = arith.addf %add3A_49, %mul3A_55 : vector<128x512xf32>
      %slice3A_57 = vector.extract_strided_slice %get3A_3 {offsets = [0, 2], sizes = [128, 1], strides = [1, 1]} : vector<128x8xf32> to vector<128x1xf32>
      %slice3A_58 = vector.extract_strided_slice %get3A_42 {offsets = [2, 0], sizes = [1, 512], strides = [1, 1]} : vector<8x512xf32> to vector<1x512xf32>
      %sub3A_59 = vector.broadcast %slice3A_57 : vector<128x1xf32> to vector<128x512xf32>
      %sub3A_60 = vector.broadcast %slice3A_58 : vector<1x512xf32> to vector<128x512xf32>
      %sub3A_61 = arith.subf %sub3A_59, %sub3A_60 : vector<128x512xf32>
      %mul3A_62 = arith.mulf %sub3A_61, %sub3A_61 : vector<128x512xf32>
      %add3A_63 = arith.addf %add3A_56, %mul3A_62 : vector<128x512xf32>
      %lt3A = vector.broadcast %while3A : f32 to vector<128x512xf32>
      %lt3A_64 = arith.cmpf olt, %add3A_63, %lt3A : vector<128x512xf32>
      %convert_element_type3A_65 = arith.extui %lt3A_64 : vector<128x512xi1> to vector<128x512xi32>
      %convert_element_type3A_66 = arith.sitofp %convert_element_type3A_65 : vector<128x512xi32> to vector<128x512xf32>
      %dot_general3A = arith.constant dense<0.000000e+00> : vector<128x512xf32>
      %dot_general3A_67 = tpu.matmul %convert_element_type3A_66, %convert_element_type3A_5, %dot_general3A {dimension_numbers = #tpu.dot_dimension_numbers<[1], [0], [0], [1], [0, 0, 1, 1], [], []>, transpose_lhs_hint = false} : vector<128x512xf32>, vector<512x512xf32>, vector<128x512xf32> -> vector<128x512xf32>
      %add3A_68 = vector.broadcast %while3A_36 : vector<128x1xf32> to vector<128x512xf32>
      %add3A_69 = arith.addf %add3A_68, %dot_general3A_67 : vector<128x512xf32>
      %sub3A_70 = arith.subf %add3A_69, %convert_element_type3A_66 : vector<128x512xf32>
      %gt3A_71 = arith.constant 0.000000e+00 : f32
      %gt3A_72 = vector.broadcast %gt3A_71 : f32 to vector<128x512xf32>
      %gt3A_73 = arith.cmpf ogt, %convert_element_type3A_66, %gt3A_72 : vector<128x512xf32>
      %lt3A_74 = arith.constant 3.200000e+01 : f32
      %lt3A_75 = vector.broadcast %lt3A_74 : f32 to vector<128x512xf32>
      %lt3A_76 = arith.cmpf olt, %sub3A_70, %lt3A_75 : vector<128x512xf32>
      %and3A = arith.andi %gt3A_73, %lt3A_76 : vector<128x512xi1>
      %jit3A = arith.constant 0.000000e+00 : f32
      %jit3A_77 = arith.constant -3.000000e+38 : f32
      %broadcast_in_dim3A_78 = vector.broadcast %jit3A : f32 to vector<128x512xf32>
      %broadcast_in_dim3A_79 = vector.broadcast %jit3A_77 : f32 to vector<128x512xf32>
      %select_n3A_80 = arith.select %and3A, %broadcast_in_dim3A_78, %broadcast_in_dim3A_79 : vector<128x512xi1>, vector<128x512xf32>
      %convert_element_type3A_81 = arith.truncf %select_n3A_80 : vector<128x512xf32> to vector<128x512xbf16>
      %mul3A_82 = arith.constant 512 : i32
      %mul3A_83 = arith.muli %while3A_34, %mul3A_82 : i32
      %get3A_84 = arith.constant 0 : index
      %get3A_85 = arith.index_cast %mul3A_83 : i32 to index
      %get3A_86 = arith.constant 0 : index
      %get3A_87 = vector.load %arg4[%get3A_84, %get3A_85, %get3A_86] : memref<1x4096x64xf32, #tpu.memory_space<vmem>>, vector<1x512x64xf32>
      %get3A_88 = vector.shape_cast %get3A_87 : vector<1x512x64xf32> to vector<512x64xf32>
      %convert_element_type3A_89 = arith.truncf %get3A_88 : vector<512x64xf32> to vector<512x64xbf16>
      %broadcast_in_dim3A_90 = vector.shape_cast %convert_element_type3A_89 : vector<512x64xbf16> to vector<1x512x64xbf16>
      %broadcast_in_dim3A_91 = vector.shape_cast %convert_element_type3A_81 : vector<128x512xbf16> to vector<128x512x1xbf16>
      %add3A_92 = vector.broadcast %broadcast_in_dim3A_90 : vector<1x512x64xbf16> to vector<128x512x64xbf16>
      %add3A_93 = vector.broadcast %broadcast_in_dim3A_91 : vector<128x512x1xbf16> to vector<128x512x64xbf16>
      %add3A_94 = arith.addf %add3A_92, %add3A_93 : vector<128x512x64xbf16>
      %reduce_max3A = arith.constant dense<0xFF80> : vector<128x64xbf16>
      %reduce_max3A_95 = vector.multi_reduction <maximumf>, %add3A_94, %reduce_max3A [1] : vector<128x512x64xbf16> to vector<128x64xbf16>
      %convert_element_type3A_96 = arith.extf %reduce_max3A_95 : vector<128x64xbf16> to vector<128x64xf32>
      %max3A_97 = arith.maximumf %while3A_35, %convert_element_type3A_96 : vector<128x64xf32>
      %slice3A_98 = vector.extract_strided_slice %dot_general3A_67 {offsets = [0, 511], sizes = [128, 1], strides = [1, 1]} : vector<128x512xf32> to vector<128x1xf32>
      %add3A_99 = arith.addf %while3A_36, %slice3A_98 : vector<128x1xf32>
      %add3A_100 = arith.constant 1 : i32
      %add3A_101 = arith.addi %while3A_34, %add3A_100 : i32
      scf.yield %add3A_101, %max3A_97, %add3A_99 : i32, vector<128x64xf32>, vector<128x1xf32>
    }
    %get3A_11 = arith.constant 0 : index
    %get3A_12 = arith.constant 0 : index
    %get3A_13 = arith.constant 0 : index
    %get3A_14 = vector.load %arg4[%get3A_11, %get3A_12, %get3A_13] : memref<1x4096x64xf32, #tpu.memory_space<vmem>>, vector<1x1x64xf32>
    %get3A_15 = vector.shape_cast %get3A_14 : vector<1x1x64xf32> to vector<1x64xf32>
    %gt3A = arith.constant 0.000000e+00 : f32
    %gt3A_16 = vector.broadcast %gt3A : f32 to vector<128x1xf32>
    %gt3A_17 = arith.cmpf ogt, %while3A_10#2, %gt3A_16 : vector<128x1xf32>
    %broadcast_in_dim3A_18 = vector.shape_cast %gt3A_17 : vector<128x1xi1> to vector<128x1xi1>
    %broadcast_in_dim3A_19 = vector.broadcast %broadcast_in_dim3A_18 : vector<128x1xi1> to vector<128x64xi1>
    %broadcast_in_dim3A_20 = vector.shape_cast %get3A_15 : vector<1x64xf32> to vector<1x64xf32>
    %broadcast_in_dim3A_21 = vector.broadcast %broadcast_in_dim3A_20 : vector<1x64xf32> to vector<128x64xf32>
    %select_n3A = arith.select %broadcast_in_dim3A_19, %while3A_10#1, %broadcast_in_dim3A_21 : vector<128x64xi1>, vector<128x64xf32>
    %get3A_22 = arith.constant 0 : index
    %get3A_23 = arith.constant 0 : index
    %get3A_24 = arith.constant 0 : index
    %get3A_25 = vector.load %arg5[%get3A_22, %get3A_23, %get3A_24] : memref<1x128x64xf32, #tpu.memory_space<vmem>>, vector<1x128x64xf32>
    %get3A_26 = vector.shape_cast %get3A_25 : vector<1x128x64xf32> to vector<128x64xf32>
    %add3A = arith.addf %select_n3A, %get3A_26 : vector<128x64xf32>
    %max3A = arith.constant 0.000000e+00 : f32
    %max3A_27 = vector.broadcast %max3A : f32 to vector<128x64xf32>
    %max3A_28 = arith.maximumf %add3A, %max3A_27 : vector<128x64xf32>
    %swap3A = arith.constant 0 : index
    %swap3A_29 = arith.constant 0 : index
    %swap3A_30 = arith.constant 0 : index
    %swap3A_31 = vector.load %arg6[%swap3A, %swap3A_29, %swap3A_30] : memref<1x128x64xf32, #tpu.memory_space<vmem>>, vector<1x128x64xf32>
    %swap3A_32 = vector.shape_cast %swap3A_31 : vector<1x128x64xf32> to vector<128x64xf32>
    %swap3A_33 = vector.shape_cast %max3A_28 : vector<128x64xf32> to vector<1x128x64xf32>
    tpu.vector_store %arg6[%swap3A, %swap3A_29, %swap3A_30], %swap3A_33 {strides = array<i32>} : memref<1x128x64xf32, #tpu.memory_space<vmem>>, vector<1x128x64xf32>,
    return
  }
  func.func @transform_0(%arg0: i32, %arg1: i32) -> (i32, i32, i32) {
    %c0_i32 = arith.constant 0 : i32
    %c0_i32_0 = arith.constant 0 : i32
    return %arg0, %arg1, %c0_i32 : i32, i32, i32
  }
  func.func @transform_1(%arg0: i32, %arg1: i32) -> (i32, i32, i32) {
    %c0_i32 = arith.constant 0 : i32
    %c0_i32_0 = arith.constant 0 : i32
    %c0_i32_1 = arith.constant 0 : i32
    return %arg0, %c0_i32, %c0_i32_0 : i32, i32, i32
  }
  func.func @transform_2(%arg0: i32, %arg1: i32) -> (i32, i32, i32) {
    %c0_i32 = arith.constant 0 : i32
    %c0_i32_0 = arith.constant 0 : i32
    %c0_i32_1 = arith.constant 0 : i32
    return %arg0, %c0_i32, %c0_i32_0 : i32, i32, i32
  }
  func.func @transform_3(%arg0: i32, %arg1: i32) -> (i32, i32, i32) {
    %c0_i32 = arith.constant 0 : i32
    %c0_i32_0 = arith.constant 0 : i32
    return %arg0, %arg1, %c0_i32 : i32, i32, i32
  }
  func.func @transform_4(%arg0: i32, %arg1: i32) -> (i32, i32, i32) {
    %c0_i32 = arith.constant 0 : i32
    %c0_i32_0 = arith.constant 0 : i32
    return %arg0, %arg1, %c0_i32 : i32, i32, i32
  }
}

</mosaic_0001>

<sc_bundles>
// kernel: gather_offload_async_start.1
scs
__scs_entry_jumppad:
0x0: {  	(pc) =	sbr.rel $0x88, $3  }
0x1: {  	(tag) =	ssettag $0x0;
	lr =	simm.s32 $0x1  }
0x2: {  	[smem:$0x3F9B] =	sst lr;
	_ =	strace $0xD0000000  }
0x3: {  	_ = 	snop  }
0x4: {  	_ = 	snop  }
0x5: {  	_ = 	snop  }
0x6: {  	_ = 	snop  }
0x7: {  	_ = 	snop  }
__scs_overlays_trampoline_lowered:
0x8: {  	[smem:$0x3FAA] =	sst s0  }
0x9: {  	[smem:$0x3FAB] =	sst s1  }
0xa: {  	[smem:$0x3FAC] =	sst s2  }
0xb: {  	[smem:$0x3FAD] =	sst s3  }
0xc: {  	[smem:$0x3FAE] =	sst s4  }
0xd: {  	[smem:$0x3FAF] =	sst s5  }
0xe: {  	[smem:$0x3FB0] =	sst s6  }
0xf: {  	[smem:$0x3FB1] =	sst s7  }
0x10: {  	[smem:$0x3FB2] =	sst s8  }
0x11: {  	[smem:$0x3FB3] =	sst s9;
	s0 =	simm.s32 @!p0 $0x0  }
0x12: {  	s1 =	sld [smem:$0x3F99];
	s0 =	simm.s32 @p0 $0x1  }
0x13: {  	[smem:$0x3FB4] =	sst s0;
	s0 =	simm.s32 @!p1 $0x0  }
0x14: {  	s2 =	sld [smem:$0x3F98];
	s0 =	simm.s32 @p1 $0x1  }
0x15: {  	[smem:$0x3FB5] =	sst s0;
	s0 =	simm.s32 @!p2 $0x0  }
0x16: {  	s3 =	sld [smem:$0x3FDB];
	s0 =	simm.s32 @p2 $0x1  }
0x17: {  	s4 =	simm.s32 $0x1BF5;
	[smem:$0x3FB7] =	sst s0  }
0x18: {  	s0 =	sld [smem:$0x3F9A];
	_ =	swait.ge [sflag:s4], $0x0  }
0x19: {  	s7 =	sld [smem:$0x3F9B]  }
0x1a: {  	s8 =	sadd.s32 $0xFFFFE003, lr  }
0x1b: {  	s9 =	sadd.s32 $0xFFFFFEF7, lr;
	s5 =	simm.s32 $0xFFFFFFFF;
	p2 =	slt.u32 s8, $0xFFFFF086  }
0x1c: {  	p1 =	slt.u32 s9, $0xF7A;
	s5 =	simm.s32 @!p2 $0x0  }
0x1d: {  	s5 =	simm.s32 @p1 $0x1;
	p0 =	seq.s32 s7, s2  }
0x1e: {  	s7 =	smul.u32 @!p0 $0xF7A, s2;
	p2 =	seq.s32 @!p0 s5, $0x0  }
0x1f: {  	s9 =	smul.u32 $0xF7A, s1;
	s8 =	simm.s32 @!p0 $0x1BF5;
	p2 =	por !p2, p0  }
0x20: {  	[sflag:s8] =	ssyncset.s32 @!p0 $0xFFFFF086;
	s6 =	sadd.s32 @!p0 s3, s7;
	s7 =	simm.s32 @!p0 $0x108  }
0x21: {  	s3 =	sadd.s32 s3, s9;
	s6 =	sadd.s32 @!p0 $0x88, s6;
	s7 =	simm.s32 @p2 $0x1082  }
0x22: {  	[simem:s7], [sflag:s8] =	dma.local @!p0 [hbm:s6], $0xF7A  }
0x23: {  	s9 =	sor.u32 $0xD0000000, s2;
	s6 =	simm.s32 $0x108;
	_ =	swait.ge @!p0 [sflag:s8], $0x0  }
0x24: {  	s3 =	sadd.s32 $0x88, s3;
	s6 =	simm.s32 @!p1 $0x1082;
	[sflag:s4] =	ssyncset.s32 $0xFFFFF086  }
0x25: {  	[simem:s6], [sflag:s4] =	dma.local [hbm:s3], $0xF7A  }
0x26: {  	[smem:$0x3F9B] =	sst s1;
	(tag) =	ssettag s2;
	_ =	strace s9  }
0x27: {  	s1 =	sld [smem:$0x3FAB]  }
0x28: {  	s2 =	sld [smem:$0x3FAC]  }
0x29: {  	s4 =	sld [smem:$0x3FAE]  }
0x2a: {  	p0 =	seq.s32 s5, $0x0;
	s5 =	sld [smem:$0x3FAF]  }
0x2b: {  	s6 =	sld [smem:$0x3FB0]  }
0x2c: {  	s7 =	sld [smem:$0x3FB1]  }
0x2d: {  	s3 =	simm.s32 $0x108;
	s8 =	sld [smem:$0x3FB2]  }
0x2e: {  	s3 =	simm.s32 @!p0 $0x1082;
	s9 =	sld [smem:$0x3FB3]  }
0x2f: {  	lr =	sadd.s32 s0, s3;
	s0 =	sld [smem:$0x3FAA]  }
0x30: {  	s3 =	sld [smem:$0x3FAD]  }
0x31: {  	[smem:$0x3FB6] =	sst s10  }
0x32: {  	s10 =	sld [smem:$0x3FB4];
	_ =	sdelay $0x3  }
0x33: {  	p0 =	seq.s32 s10, $0x1;
	s10 =	sld [smem:$0x3FB6];
	_ =	sdelay $0x3  }
0x34: {  	[smem:$0x3FB6] =	sst s10  }
0x35: {  	s10 =	sld [smem:$0x3FB5];
	_ =	sdelay $0x3  }
0x36: {  	p1 =	seq.s32 s10, $0x1;
	s10 =	sld [smem:$0x3FB6];
	_ =	sdelay $0x3  }
0x37: {  	[smem:$0x3FB6] =	sst s10  }
0x38: {  	s10 =	sld [smem:$0x3FB7]  }
0x39: {  	_ = 	snop;
	(pc) =	sbr.ind lr, $3  }
0x3a: {  	_ = 	snop  }
0x3b: {  	_ = 	snop  }
0x3c: {  	p2 =	seq.s32 s10, $0x1;
	s10 =	sld [smem:$0x3FB6]  }
0x3d: {  	_ =	shalt  }
0x3e: {  	_ =	shalt  }
0x3f: {  	_ =	shalt  }
0x40: {  	_ =	shalt  }
0x41: {  	_ =	shalt  }
0x42: {  	_ =	shalt  }
0x43: {  	_ =	shalt  }
0x44: {  	_ =	shalt  }
0x45: {  	_ =	shalt  }
0x46: {  	_ =	shalt  }
0x47: {  	_ =	shalt  }
0x48: {  	_ =	shalt  }
0x49: {  	_ =	shalt  }
0x4a: {  	_ =	shalt  }
0x4b: {  	_ =	shalt  }
0x4c: {  	_ =	shalt  }
0x4d: {  	_ =	shalt  }
0x4e: {  	_ =	shalt  }
0x4f: {  	_ =	shalt  }
0x50: {  	_ =	shalt  }
0x51: {  	_ =	shalt  }
0x52: {  	_ =	shalt  }
0x53: {  	_ =	shalt  }
0x54: {  	_ =	shalt  }
0x55: {  	_ =	shalt  }
0x56: {  	_ =	shalt  }
0x57: {  	_ =	shalt  }
0x58: {  	_ =	shalt  }
0x59: {  	_ =	shalt  }
0x5a: {  	_ =	shalt  }
0x5b: {  	_ =	shalt  }
0x5c: {  	_ =	shalt  }
0x5d: {  	_ =	shalt  }
0x5e: {  	_ =	shalt  }
0x5f: {  	_ =	shalt  }
0x60: {  	_ =	shalt  }
0x61: {  	_ =	shalt  }
0x62: {  	_ =	shalt  }
0x63: {  	_ =	shalt  }
0x64: {  	_ =	shalt  }
0x65: {  	_ =	shalt  }
0x66: {  	_ =	shalt  }
0x67: {  	_ =	shalt  }
0x68: {  	_ =	shalt  }
0x69: {  	_ =	shalt  }
0x6a: {  	_ =	shalt  }
0x6b: {  	_ =	shalt  }
0x6c: {  	_ =	shalt  }
0x6d: {  	_ =	shalt  }
0x6e: {  	_ =	shalt  }
0x6f: {  	_ =	shalt  }
0x70: {  	_ =	shalt  }
0x71: {  	_ =	shalt  }
0x72: {  	_ =	shalt  }
0x73: {  	_ =	shalt  }
0x74: {  	_ =	shalt  }
0x75: {  	_ =	shalt  }
0x76: {  	_ =	shalt  }
0x77: {  	_ =	shalt  }
0x78: {  	_ =	shalt  }
0x79: {  	_ =	shalt  }
0x7a: {  	_ =	shalt  }
0x7b: {  	_ =	shalt  }
0x7c: {  	_ =	shalt  }
0x7d: {  	_ =	shalt  }
0x7e: {  	_ =	shalt  }
0x7f: {  	_ =	shalt  }
0x80: {  	_ =	shalt  }
0x81: {  	_ =	shalt  }
0x82: {  	_ =	shalt  }
0x83: {  	_ =	shalt  }
0x84: {  	_ =	shalt  }
0x85: {  	_ =	shalt  }
0x86: {  	_ =	shalt  }
0x87: {  	_ =	shalt  }
.Lfunc_end0:
.L_simem_size_0:
called_computation.1_lowered:
.L_overlay_start_0:
0x88: {  	s2 =	sld [smem:$0x3FD9]  }
0x89: {  	s3 =	sld [smem:$0x3FFE];
	_ =	sdelay $0x1  }
0x8a: {  	s1 =	srdreg.scid  }
0x8b: {  	s0 =	sand.u32 $0x1, s1  }
0x8c: {  	s17 =	sshll.u32 s0, $0xA;
	s2 =	sadd.s32 s3, s2  }
0x8d: {  	s2 =	sadd.s32 s2, s17  }
0x8e: {  	[smem:$0x3FC2] =	sst s2  }
0x8f: {  	_ = 	snop  }
0x90: {  	s18 =	sld [smem:$0x3FD0];
	(tm) =	ssettm $0x1  }
0x91: {  	s19 =	sld [smem:$0x3FFB];
	_ =	sdelay $0x3  }
0x92: {  	_ =	strace s19  }
0x93: {  	s2 =	sld [smem:$0x3FFC];
	_ =	sdelay $0x3  }
0x94: {  	_ =	strace s2  }
0x95: {  	s2 =	sld [smem:$0x3FFD];
	_ =	sdelay $0x3  }
0x96: {  	_ =	strace s2  }
0x97: {  	_ =	strace $0x8FFFFFFF  }
0x98: {  	s20 =	sld [smem:$0x3FDB];
	_ =	sdelay $0x1  }
0x99: {  	s4 =	simm.s32 $_scs_section_size  }
0x9a: {  	s5 =	simm.s32 $_size__tile_overlayer_lowered;
	s6 =	simm.s32 $_tile_overlayer_lowered  }
0x9b: {  	s7 =	simm.s32 $0x1BFF;
	s21 =	sshll.u32 s6, $0x1;
	s4 =	sadd.s32 s4, s20  }
0x9c: {  	s22 =	simm.s32 $0x0;
	s5 =	sshll.u32 s5, $0x1;
	s6 =	sadd.s32 s21, s4  }
0x9d: {  	[timem:s22], [sflag:s7] =	dma.local [hbm:s6], s5  }
0x9e: {  	_ =	swait.ge [sflag:s7], s5  }
0x9f: {  	s5 =	ssub.s32 $0x0, s5;
	[sflag:s7] =	ssyncset.done $0x0  }
0xa0: {  	[sflag:s7] =	ssyncadd.s32 s5;
	_ =	sdelay $0x1  }
0xa1: {  	s23 =	simm.s32 $0x1B8B  }
0xa2: {  	_ =	swait.ge [sflag:s23], $0x1  }
0xa3: {  	[sflag:s23] =	ssyncset.done $0x0  }
0xa4: {  	[sflag:s23] =	ssyncadd.s32 $0xFFFFFFFF  }
0xa5: {  	s5 =	sld [smem:$0x0]  }
0xa6: {  	s6 =	sand.u32 $0xFFFFFFFE, s1  }
0xa7: {  	p0 =	sne.s32 s1, s6  }
0xa8: {  	s6 =	sshll.u32 @p0 s6, $0xE  }
0xa9: {  	s6 =	sadd.s32 @p0 $0x11B8D, s6;
	s7 =	sshll.u32 @p0 s5, $0x11  }
0xaa: {  	s6 =	sor.u32 @p0 s7, s6  }
0xab: {  	[sflag:s6] =	ssyncadd.remote.s32 @p0 $0x1;
	_ =	sdelay $0x1  }
0xac: {  	s6 =	simm.s32 @p0 $0x1B8D  }
0xad: {  	_ =	swait.eq @p0 [sflag:s6], $0x1  }
0xae: {  	[sflag:s6] =	ssyncadd.s32 @p0 $0xFFFFFFFF  }
0xaf: {  	s7 =	sshll.u32 @!p0 s1, $0xE  }
0xb0: {  	s7 =	sor.u32 @!p0 $0x4000, s7;
	s6 =	simm.s32 @!p0 $0x1B8D  }
0xb1: {  	s5 =	sshll.u32 @!p0 s5, $0x11;
	s7 =	sadd.s32 @!p0 $0x11B8D, s7;
	_ =	swait.eq @!p0 [sflag:s6], $0x1  }
0xb2: {  	s5 =	sor.u32 @!p0 s5, s7;
	[sflag:s6] =	ssyncadd.s32 @!p0 $0xFFFFFFFF  }
0xb3: {  	s25 =	simm.s32 $0x1B8E;
	s24 =	sld [smem:$0x3FFE];
	[sflag:s5] =	ssyncadd.remote.s32 @!p0 $0x1  }
0xb4: {  	s26 =	simm.s32 $execute0_lowered;
	[smem:$0x3FD2] =	sst s25  }
0xb5: {  	s6 =	sshll.u32 s26, $0x1;
	_ =	strace $0x80000049;
	[dreg:$0x1] =	wrdreg $0xFFFFFFFF  }
0xb6: {  	s28 =	simm.s32 $_size_execute0_lowered;
	s4 =	sadd.s32 s4, s6;
	[dreg:$0x0] =	wrdreg $0x0  }
0xb7: {  	s6 =	sshll.u32 s28, $0x1;
	[dreg:$0x2] =	wrdreg s4  }
0xb8: {  	[dreg:$0x3] =	wrdreg s6  }
0xb9: {  	[dreg:$0x4] =	wrdreg $0xC0  }
0xba: {  	_ =	task [dreg:s22], $0x5FFFF  }
0xbb: {  	[dreg:$0x1] =	wrdreg $0xFFFFFFFF  }
0xbc: {  	[dreg:$0x0] =	wrdreg $0x60  }
0xbd: {  	[dreg:$0x2] =	wrdreg s24  }
0xbe: {  	[dreg:$0x3] =	wrdreg s18  }
0xbf: {  	[dreg:$0x4] =	wrdreg $0xA  }
0xc0: {  	_ =	task.clear_ibuf [dreg:s22], $0x5FFFF;
	_ =	strace $0x90000049  }
0xc1: {  	s29 =	simm.s32 $0xA;
	_ =	strace $0x8000004B  }
0xc2: {  	_ =	swait.ge [sflag:s29], $0x1  }
0xc3: {  	[sflag:s29] =	ssyncadd.s32 $0xFFFFFFFF  }
0xc4: {  	_ =	strace $0x9000004B  }
0xc5: {  	_ =	sfence  }
0xc6: {  	s30 =	sld [smem:$0x0];
	_ =	sdelay $0x2  }
0xc7: {  	s31 =	sshll.u32 s1, $0xD;
	s1 =	sshrl.u32 s1, $0x2  }
0xc8: {  	s4 =	sand.u32 $0x4000, s31;
	s1 =	sadd.s32 s1, s30  }
0xc9: {  	s0 =	sor.u32 s4, s0;
	s1 =	sshll.u32 s1, $0x11  }
0xca: {  	s0 =	sor.u32 s1, s0  }
0xcb: {  	s0 =	sadd.s32 $0x8F2B, s0  }
0xcc: {  	[sflag:s0] =	ssyncadd.remote.s32 $0x1  }
0xcd: {  	_ =	sfence.sel $0xFFFF  }
0xce: {  	[dreg:$0x0] =	wrdreg $0xFFFFFFFF;
	(pc) =	sbr.abs _section_cstart, $3  }
0xcf: {  	[dreg:$0x1] =	wrdreg $0xFFFFFFFF  }
0xd0: {  	_ =	task.clear_ibuf [dreg:s22], $0x2FFFF;
	_ =	strace $0x9FFFFFFF  }
0xd1: {  	(tm) =	ssettm $0x7FFFFFFF  }
tec
execute0_lowered:
.L_overlay_start_1:
0x0: {  	(tag) =	ssettag $0x1  }
0x1: {  	s7 =	rddreg [dreg:$0x0]  }
0x2: {  	s2 =	rddreg [dreg:$0x1]  }
0x3: {  	s0 =	rddreg [dreg:$0x2]  }
0x4: {  	s1 =	srdreg.scid;
	_ =	strace $0x8000004A;
	s4 =	simm.s32 $0x1  }
0x5: {  	s9 =	simm.s32 $0x3;
	s12 =	simm.s32 $0x0;
	s5 =	sshll.u32 s1, $0x4  }
.Ltmp0:
0x6: {  	s1 =	stileid.u32;
	s5 =	sand.u32 $0x10, s5;
	(pc) =	sbr.rel .LBB2_1-.Ltmp0, $4  }
0x7: {  	s10 =	simm.s32 $0x0;
	s3 =	sadd.s32 $0x40000, s7;
	s6 =	sor.u32 s1, s5  }
0x8: {  	[sflag:s4] =	ssyncpa.u1 $0x0;
	s5 =	simm.s32 $0x2;
	s6 =	sshll.u32 s6, $0x8  }
0x9: {  	s7 =	sadd.s32 $0x80000, s7;
	[sflag:s5] =	ssyncpa.u1 $0x0;
	s8 =	sadd.s32 $0x100, s6  }
0xa: {  	vm0 =	vmmov $0xff;
	vm1 =	vcmask $0x3F20;
	[sflag:s9] =	ssyncpa.u1 $0x0;
	s9 =	simm.s32 $0x100;
	s11 =	smov.u32 s6  }
.LBB2_9:
0xb: {  	p0 =	seq.s32 s10, $0x2  }
.Ltmp1:
0xc: {  	_ = 	snop;
	(pc) =	sbr.rel @p0 .LBB2_11-.Ltmp1, $1  }
0xd: {  	_ =	sdelay $0x3  }
.LBB2_10:
0xe: {  	s12 =	sadd.s32 $0x100, s11  }
0xf: {  	s13 =	smov.u32 s6;
	p0 =	slt.s32 s12, s8  }
0x10: {  	s13 =	smov.u32 @p0 s12  }
0x11: {  	s10 =	sadd.s32 $0x1, s10;
	s12 =	smov.u32 s11;
	s11 =	smov.u32 s13  }
.LBB2_1:
0x12: {  	p0 =	sne.s32 s10, $0x0  }
.Ltmp2:
0x13: {  	_ = 	snop;
	(pc) =	sbr.rel @!p0 .LBB2_2-.Ltmp2, $1  }
0x14: {  	_ =	sdelay $0x3  }
0x15: {  	s13 =	sand.u32 $0x1, s10  }
0x16: {  	p0 =	seq.s32 s13, $0x0  }
.Ltmp3:
0x17: {  	_ = 	snop;
	(pc) =	sbr.rel @p0 .LBB2_9-.Ltmp3, $1  }
0x18: {  	_ =	sdelay $0x3  }
0x19: {  	_ =	swait.ge [sflag:s5], $0x100  }
0x1a: {  	[sflag:s5] =	ssyncset.done $0x0  }
0x1b: {  	s13 =	simm.s32 $0x0;
	[sflag:s5] =	ssyncadd.s32 $0xFFFFFF00  }
0x1c: {  	v0 =	vld.msk [tilespmem:s13+$0x100 ss:$0x1], $0xffff;
	_ =	sdelay $0x4  }
0x1d: {  	v1 =	vshll.u32 v0, $0x6  }
0x1e: {  	vm2 =	veq.s32 v0, $0x80000000;
	v0 =	vshll.u32 v0, $0x13;
	v1 =	vand.u32 $0x7FF80, v1  }
0x1f: {  	v0 =	vand.u32 $0x80000, v0;
	v1 =	vsel vm2, $0xFFFFFF80, v1  }
0x20: {  	v0 =	vsel vm2, $0xFFF80000, v0;
	v2 =	vand.u32 $0xFFFFFC00, v1  }
0x21: {  	v1 =	vand.u32 $0x380, v1;
	v0 =	vadd.s32 v0, v2  }
0x22: {  	v0 =	vor.u32 v1, v0  }
0x23: {  	v0 =	vshrl.u32 v0, $0x3;
	_ =	sdelay $0x3  }
0x24: {  	s13 =	simm.s32 $0x8200  }
0x25: {  	[tilespmem:s13], [sflag:$0x1] =	stream.indirect_vreg.gather [hbm:s3], $0x80, v0, vm0, $0x38;
	[tilespmem:$0x10200] =	vst v63  }
0x26: {  	s14 =	simm.s32 $0x8600;
	s31 =	simm.s32 $0x10  }
0x27: {  	[tilespmem:s14], [sflag:$0x1] =	stream.indirect_vreg.gather [hbm:s3], $0x80, v0, vm1, $0x38;
	[tilespmem:$0x10200] =	vst v63  }
0x28: {  	s14 =	simm.s32 $0x80;
	v0 =	vld.msk [tilespmem:s31+$0x100 ss:$0x1], $0xffff  }
.LBB2_5:
0x29: {  	p0 =	sne.s32 s14, $0x3C0;
	_ =	sdelay $0x4  }
0x2a: {  	v1 =	vshll.u32 v0, $0x6  }
0x2b: {  	vm2 =	veq.s32 v0, $0x80000000;
	v0 =	vshll.u32 v0, $0x13;
	v1 =	vand.u32 $0x7FF80, v1  }
0x2c: {  	v0 =	vand.u32 $0x80000, v0;
	v1 =	vsel vm2, $0xFFFFFF80, v1  }
0x2d: {  	v0 =	vsel vm2, $0xFFF80000, v0;
	v2 =	vand.u32 $0xFFFFFC00, v1  }
0x2e: {  	v1 =	vand.u32 $0x380, v1;
	v0 =	vadd.s32 v0, v2  }
0x2f: {  	v0 =	vor.u32 v1, v0  }
0x30: {  	v0 =	vshrl.u32 v0, $0x3;
	_ =	sdelay $0x3  }
.Ltmp4:
0x31: {  	s13 =	sadd.s32 $0x800, s13;
	(pc) =	sbr.rel @p0 .LBB2_5-.Ltmp4, $4  }
0x32: {  	[tilespmem:s13], [sflag:$0x1] =	stream.indirect_vreg.gather [hbm:s3], $0x80, v0, vm0, $0x38;
	[tilespmem:$0x10200] =	vst v63  }
0x33: {  	s15 =	sshra.s32 s14, $0x2;
	s16 =	sadd.s32 $0x400, s13  }
0x34: {  	[tilespmem:s16], [sflag:$0x1] =	stream.indirect_vreg.gather [hbm:s3], $0x80, v0, vm1, $0x38;
	[tilespmem:$0x10200] =	vst v63  }
0x35: {  	s14 =	sadd.s32 $0x40, s14;
	v0 =	vld.msk [tilespmem:s15+$0x100 ss:$0x1], $0xffff  }
0x36: {  	_ =	sdelay $0x3  }
0x37: {  	v1 =	vshll.u32 v0, $0x6  }
0x38: {  	vm2 =	veq.s32 v0, $0x80000000;
	v63 =	vshll.u32 v0, $0x13;
	v1 =	vand.u32 $0x7FF80, v1  }
0x39: {  	v0 =	vand.u32 $0x80000, v63;
	v1 =	vsel vm2, $0xFFFFFF80, v1  }
0x3a: {  	v0 =	vsel vm2, $0xFFF80000, v0;
	v2 =	vand.u32 $0xFFFFFC00, v1  }
0x3b: {  	v1 =	vand.u32 $0x380, v1;
	v0 =	vadd.s32 v0, v2  }
0x3c: {  	v0 =	vor.u32 v1, v0  }
0x3d: {  	v0 =	vshrl.u32 v0, $0x3;
	_ =	sdelay $0x3  }
0x3e: {  	s13 =	sadd.s32 $0x800, s13  }
0x3f: {  	[tilespmem:s13], [sflag:$0x1] =	stream.indirect_vreg.gather [hbm:s3], $0x80, v0, vm0, $0x38;
	[tilespmem:$0x10200] =	vst v63  }
0x40: {  	s13 =	sadd.s32 $0x400, s13  }
0x41: {  	[tilespmem:s13], [sflag:$0x1] =	stream.indirect_vreg.gather [hbm:s3], $0x80, v0, vm1, $0x38;
	[tilespmem:$0x10200] =	vst v63  }
0x42: {  	s12 =	sshll.u32 s12, $0x4;
	s14 =	simm.s32 $0x80;
	_ =	swait.ge [sflag:s4], $0x8000  }
0x43: {  	s15 =	simm.s32 $0x8600;
	s12 =	sadd.s32 s12, s7;
	[sflag:s4] =	ssyncset.done $0x0  }
0x44: {  	s16 =	sadd.s32 $0x0, s12;
	s13 =	simm.s32 $0x8200;
	[sflag:s4] =	ssyncadd.s32 $0xFFFF8000  }
.LBB2_7:
0x45: {  	[hbm:s16] =	stream.linear.scatter [tilespmem:s13], [sflag:$0x3], $0x400, $0x38;
	[tilespmem:$0x10200] =	vst v63  }
0x46: {  	s16 =	smov.u32 s14;
	s13 =	smov.u32 s15;
	p0 =	sne.s32 s14, $0xF80  }
.Ltmp5:
0x47: {  	s14 =	sadd.s32 $0x80, s14;
	(pc) =	sbr.rel @p0 .LBB2_7-.Ltmp5, $2  }
0x48: {  	_ =	sdelay $0x2  }
0x49: {  	s15 =	sadd.s32 $0x400, s15;
	s16 =	sadd.s32 s16, s12  }
.Ltmp6:
0x4a: {  	(pc) =	sbr.rel .LBB2_9-.Ltmp6, $2  }
0x4b: {  	_ =	sdelay $0x2  }
0x4c: {  	[hbm:s16] =	stream.linear.scatter [tilespmem:s13], [sflag:$0x3], $0x400, $0x38;
	[tilespmem:$0x10200] =	vst v63  }
.LBB2_2:
.Ltmp7:
0x4d: {  	(pc) =	sbr.rel .LBB2_10-.Ltmp7, $4  }
0x4e: {  	_ = 	snop  }
0x4f: {  	s12 =	sshrl.u32 s11, $0x3  }
0x50: {  	s13 =	sand.u32 $0x7, s11;
	s12 =	sadd.s32 s2, s12  }
0x51: {  	[tilespmem:s9], [sflag:$0x2] =	stream.linear.gather [hbm4b:s12+s13], $0x100, $0x38;
	[tilespmem:$0x10200] =	vst v63  }
.LBB2_11:
0x52: {  	s2 =	simm.s32 $0x3  }
0x53: {  	_ =	swait.ge [sflag:s2], $0x8000  }
0x54: {  	[sflag:s2] =	ssyncset.done $0x0  }
0x55: {  	[sflag:s2] =	ssyncadd.s32 $0xFFFF8000  }
0x56: {  	_ =	sfence.sel $0x180000  }
0x57: {  	s3 =	simm.s32 $0x2;
	[bflag:$0x0] =	sbarrier.arrive $0xFFFF  }
0x58: {  	[sflag:s3] =	ssyncpa.u1 $0x1  }
0x59: {  	s31 =	simm.s32 $0x1;
	[sflag:s2] =	ssyncpa.u1 $0x1  }
0x5a: {  	[sflag:s31] =	ssyncpa.u1 $0x1  }
0x5b: {  	p0 =	sne.s32 s1, $0x0;
	_ =	strace $0x9000004A  }
0x5c: {  	s0 =	sadd.s32 @!p0 $0x100000, s0;
	[bflag:$0x2] =	sbarrier.arrive $0xFFFF  }
0x5d: {  	[sflag:s0] =	ssyncadd.tile.s32 @!p0 $0x1;
	_ =	shalt  }
.Lfunc_end2:
_tile_overlayer_lowered:
.L_overlay_start_2:
0x5e: {  	(tag) =	ssettag $0x2  }
0x5f: {  	s0 =	rddreg [dreg:$0x0];
	s2 =	stileid.u32  }
0x60: {  	s1 =	rddreg [dreg:$0x1];
	p0 =	sne.s32 s2, $0x0  }
0x61: {  	s3 =	rddreg [dreg:$0x2];
	[bflag:$0x3] =	sbarrier.arrive $0xFFFF;
	s2 =	simm.s32 @!p0 $0x1C01  }
0x62: {  	[timem:s3], [sflag:s2] =	dma.local @!p0 [hbm:s0], s1  }
0x63: {  	s0 =	simm.s32 @!p0 $0x1  }
0x64: {  	_ =	swait.ge @!p0 [sflag:s0], s1  }
0x65: {  	s1 =	ssub.s32 @!p0 $0x0, s1;
	[sflag:s0] =	ssyncset.done @!p0 $0x0  }
0x66: {  	[sflag:s0] =	ssyncadd.s32 @!p0 s1  }
0x67: {  	[bflag:$0x3] =	sbarrier.arrive $0xFFFF  }
0x68: {  	_ =	shalt  }

// kernel: gather_offload_async_start
scs
__scs_entry_jumppad:
0x0: {  	(pc) =	sbr.rel $0x88, $3  }
0x1: {  	(tag) =	ssettag $0x0;
	lr =	simm.s32 $0x1  }
0x2: {  	[smem:$0x3F9B] =	sst lr;
	_ =	strace $0xD0000000  }
0x3: {  	_ = 	snop  }
0x4: {  	_ = 	snop  }
0x5: {  	_ = 	snop  }
0x6: {  	_ = 	snop  }
0x7: {  	_ = 	snop  }
__scs_overlays_trampoline_lowered:
0x8: {  	[smem:$0x3FAA] =	sst s0  }
0x9: {  	[smem:$0x3FAB] =	sst s1  }
0xa: {  	[smem:$0x3FAC] =	sst s2  }
0xb: {  	[smem:$0x3FAD] =	sst s3  }
0xc: {  	[smem:$0x3FAE] =	sst s4  }
0xd: {  	[smem:$0x3FAF] =	sst s5  }
0xe: {  	[smem:$0x3FB0] =	sst s6  }
0xf: {  	[smem:$0x3FB1] =	sst s7  }
0x10: {  	[smem:$0x3FB2] =	sst s8  }
0x11: {  	[smem:$0x3FB3] =	sst s9;
	s0 =	simm.s32 @!p0 $0x0  }
0x12: {  	s1 =	sld [smem:$0x3F99];
	s0 =	simm.s32 @p0 $0x1  }
0x13: {  	[smem:$0x3FB4] =	sst s0;
	s0 =	simm.s32 @!p1 $0x0  }
0x14: {  	s2 =	sld [smem:$0x3F98];
	s0 =	simm.s32 @p1 $0x1  }
0x15: {  	[smem:$0x3FB5] =	sst s0;
	s0 =	simm.s32 @!p2 $0x0  }
0x16: {  	s3 =	sld [smem:$0x3FDB];
	s0 =	simm.s32 @p2 $0x1  }
0x17: {  	s4 =	simm.s32 $0x1BF5;
	[smem:$0x3FB7] =	sst s0  }
0x18: {  	s0 =	sld [smem:$0x3F9A];
	_ =	swait.ge [sflag:s4], $0x0  }
0x19: {  	s7 =	sld [smem:$0x3F9B]  }
0x1a: {  	s8 =	sadd.s32 $0xFFFFE003, lr  }
0x1b: {  	s9 =	sadd.s32 $0xFFFFFEF7, lr;
	s5 =	simm.s32 $0xFFFFFFFF;
	p2 =	slt.u32 s8, $0xFFFFF086  }
0x1c: {  	p1 =	slt.u32 s9, $0xF7A;
	s5 =	simm.s32 @!p2 $0x0  }
0x1d: {  	s5 =	simm.s32 @p1 $0x1;
	p0 =	seq.s32 s7, s2  }
0x1e: {  	s7 =	smul.u32 @!p0 $0xF7A, s2;
	p2 =	seq.s32 @!p0 s5, $0x0  }
0x1f: {  	s9 =	smul.u32 $0xF7A, s1;
	s8 =	simm.s32 @!p0 $0x1BF5;
	p2 =	por !p2, p0  }
0x20: {  	[sflag:s8] =	ssyncset.s32 @!p0 $0xFFFFF086;
	s6 =	sadd.s32 @!p0 s3, s7;
	s7 =	simm.s32 @!p0 $0x108  }
0x21: {  	s3 =	sadd.s32 s3, s9;
	s6 =	sadd.s32 @!p0 $0x88, s6;
	s7 =	simm.s32 @p2 $0x1082  }
0x22: {  	[simem:s7], [sflag:s8] =	dma.local @!p0 [hbm:s6], $0xF7A  }
0x23: {  	s9 =	sor.u32 $0xD0000000, s2;
	s6 =	simm.s32 $0x108;
	_ =	swait.ge @!p0 [sflag:s8], $0x0  }
0x24: {  	s3 =	sadd.s32 $0x88, s3;
	s6 =	simm.s32 @!p1 $0x1082;
	[sflag:s4] =	ssyncset.s32 $0xFFFFF086  }
0x25: {  	[simem:s6], [sflag:s4] =	dma.local [hbm:s3], $0xF7A  }
0x26: {  	[smem:$0x3F9B] =	sst s1;
	(tag) =	ssettag s2;
	_ =	strace s9  }
0x27: {  	s1 =	sld [smem:$0x3FAB]  }
0x28: {  	s2 =	sld [smem:$0x3FAC]  }
0x29: {  	s4 =	sld [smem:$0x3FAE]  }
0x2a: {  	p0 =	seq.s32 s5, $0x0;
	s5 =	sld [smem:$0x3FAF]  }
0x2b: {  	s6 =	sld [smem:$0x3FB0]  }
0x2c: {  	s7 =	sld [smem:$0x3FB1]  }
0x2d: {  	s3 =	simm.s32 $0x108;
	s8 =	sld [smem:$0x3FB2]  }
0x2e: {  	s3 =	simm.s32 @!p0 $0x1082;
	s9 =	sld [smem:$0x3FB3]  }
0x2f: {  	lr =	sadd.s32 s0, s3;
	s0 =	sld [smem:$0x3FAA]  }
0x30: {  	s3 =	sld [smem:$0x3FAD]  }
0x31: {  	[smem:$0x3FB6] =	sst s10  }
0x32: {  	s10 =	sld [smem:$0x3FB4];
	_ =	sdelay $0x3  }
0x33: {  	p0 =	seq.s32 s10, $0x1;
	s10 =	sld [smem:$0x3FB6];
	_ =	sdelay $0x3  }
0x34: {  	[smem:$0x3FB6] =	sst s10  }
0x35: {  	s10 =	sld [smem:$0x3FB5];
	_ =	sdelay $0x3  }
0x36: {  	p1 =	seq.s32 s10, $0x1;
	s10 =	sld [smem:$0x3FB6];
	_ =	sdelay $0x3  }
0x37: {  	[smem:$0x3FB6] =	sst s10  }
0x38: {  	s10 =	sld [smem:$0x3FB7]  }
0x39: {  	_ = 	snop;
	(pc) =	sbr.ind lr, $3  }
0x3a: {  	_ = 	snop  }
0x3b: {  	_ = 	snop  }
0x3c: {  	p2 =	seq.s32 s10, $0x1;
	s10 =	sld [smem:$0x3FB6]  }
0x3d: {  	_ =	shalt  }
0x3e: {  	_ =	shalt  }
0x3f: {  	_ =	shalt  }
0x40: {  	_ =	shalt  }
0x41: {  	_ =	shalt  }
0x42: {  	_ =	shalt  }
0x43: {  	_ =	shalt  }
0x44: {  	_ =	shalt  }
0x45: {  	_ =	shalt  }
0x46: {  	_ =	shalt  }
0x47: {  	_ =	shalt  }
0x48: {  	_ =	shalt  }
0x49: {  	_ =	shalt  }
0x4a: {  	_ =	shalt  }
0x4b: {  	_ =	shalt  }
0x4c: {  	_ =	shalt  }
0x4d: {  	_ =	shalt  }
0x4e: {  	_ =	shalt  }
0x4f: {  	_ =	shalt  }
0x50: {  	_ =	shalt  }
0x51: {  	_ =	shalt  }
0x52: {  	_ =	shalt  }
0x53: {  	_ =	shalt  }
0x54: {  	_ =	shalt  }
0x55: {  	_ =	shalt  }
0x56: {  	_ =	shalt  }
0x57: {  	_ =	shalt  }
0x58: {  	_ =	shalt  }
0x59: {  	_ =	shalt  }
0x5a: {  	_ =	shalt  }
0x5b: {  	_ =	shalt  }
0x5c: {  	_ =	shalt  }
0x5d: {  	_ =	shalt  }
0x5e: {  	_ =	shalt  }
0x5f: {  	_ =	shalt  }
0x60: {  	_ =	shalt  }
0x61: {  	_ =	shalt  }
0x62: {  	_ =	shalt  }
0x63: {  	_ =	shalt  }
0x64: {  	_ =	shalt  }
0x65: {  	_ =	shalt  }
0x66: {  	_ =	shalt  }
0x67: {  	_ =	shalt  }
0x68: {  	_ =	shalt  }
0x69: {  	_ =	shalt  }
0x6a: {  	_ =	shalt  }
0x6b: {  	_ =	shalt  }
0x6c: {  	_ =	shalt  }
0x6d: {  	_ =	shalt  }
0x6e: {  	_ =	shalt  }
0x6f: {  	_ =	shalt  }
0x70: {  	_ =	shalt  }
0x71: {  	_ =	shalt  }
0x72: {  	_ =	shalt  }
0x73: {  	_ =	shalt  }
0x74: {  	_ =	shalt  }
0x75: {  	_ =	shalt  }
0x76: {  	_ =	shalt  }
0x77: {  	_ =	shalt  }
0x78: {  	_ =	shalt  }
0x79: {  	_ =	shalt  }
0x7a: {  	_ =	shalt  }
0x7b: {  	_ =	shalt  }
0x7c: {  	_ =	shalt  }
0x7d: {  	_ =	shalt  }
0x7e: {  	_ =	shalt  }
0x7f: {  	_ =	shalt  }
0x80: {  	_ =	shalt  }
0x81: {  	_ =	shalt  }
0x82: {  	_ =	shalt  }
0x83: {  	_ =	shalt  }
0x84: {  	_ =	shalt  }
0x85: {  	_ =	shalt  }
0x86: {  	_ =	shalt  }
0x87: {  	_ =	shalt  }
.Lfunc_end0:
.L_simem_size_0:
called_computation_lowered:
.L_overlay_start_0:
0x88: {  	s2 =	sld [smem:$0x3FD9]  }
0x89: {  	s3 =	sld [smem:$0x3FFE];
	_ =	sdelay $0x1  }
0x8a: {  	s1 =	srdreg.scid  }
0x8b: {  	s0 =	sand.u32 $0x1, s1  }
0x8c: {  	s17 =	sshll.u32 s0, $0xA;
	s2 =	sadd.s32 s3, s2  }
0x8d: {  	s2 =	sadd.s32 s2, s17  }
0x8e: {  	[smem:$0x3FC2] =	sst s2  }
0x8f: {  	_ = 	snop  }
0x90: {  	s2 =	sld [smem:$0x3FD0];
	(tm) =	ssettm $0x1  }
0x91: {  	s18 =	sld [smem:$0x3FFB];
	_ =	sdelay $0x3  }
0x92: {  	_ =	strace s18  }
0x93: {  	s3 =	sld [smem:$0x3FFC];
	_ =	sdelay $0x3  }
0x94: {  	_ =	strace s3  }
0x95: {  	s3 =	sld [smem:$0x3FFD];
	_ =	sdelay $0x3  }
0x96: {  	_ =	strace s3  }
0x97: {  	_ =	strace $0x8FFFFFFF  }
0x98: {  	s19 =	sld [smem:$0x3FDB];
	_ =	sdelay $0x1  }
0x99: {  	s4 =	simm.s32 $_scs_section_size  }
0x9a: {  	s5 =	simm.s32 $_size__tile_overlayer_lowered;
	s6 =	simm.s32 $_tile_overlayer_lowered  }
0x9b: {  	s22 =	simm.s32 $0x1BFF;
	s21 =	sshll.u32 s6, $0x1;
	s3 =	sadd.s32 s4, s19  }
0x9c: {  	s7 =	simm.s32 $0x0;
	s20 =	sshll.u32 s5, $0x1;
	s5 =	sadd.s32 s21, s3  }
0x9d: {  	[timem:s7], [sflag:s22] =	dma.local [hbm:s5], s20  }
0x9e: {  	_ =	swait.ge [sflag:s22], s20  }
0x9f: {  	s4 =	ssub.s32 $0x0, s20;
	[sflag:s22] =	ssyncset.done $0x0  }
0xa0: {  	[sflag:s22] =	ssyncadd.s32 s4;
	_ =	sdelay $0x1  }
0xa1: {  	s23 =	simm.s32 $0x1B8B  }
0xa2: {  	_ =	swait.ge [sflag:s23], $0x1  }
0xa3: {  	[sflag:s23] =	ssyncset.done $0x0  }
0xa4: {  	s25 =	simm.s32 $0x1B8E;
	s24 =	sld [smem:$0x3FFE];
	[sflag:s23] =	ssyncadd.s32 $0xFFFFFFFF  }
0xa5: {  	s26 =	simm.s32 $execute0_lowered;
	[smem:$0x3FD2] =	sst s25  }
0xa6: {  	s5 =	sshll.u32 s26, $0x1;
	_ =	strace $0x80000046;
	[dreg:$0x1] =	wrdreg $0xFFFFFFFF  }
0xa7: {  	s28 =	simm.s32 $_size_execute0_lowered;
	s3 =	sadd.s32 s3, s5;
	[dreg:$0x0] =	wrdreg $0x0  }
0xa8: {  	s5 =	sshll.u32 s28, $0x1;
	[dreg:$0x2] =	wrdreg s3  }
0xa9: {  	[dreg:$0x3] =	wrdreg s5  }
0xaa: {  	[dreg:$0x4] =	wrdreg $0xC0  }
0xab: {  	_ =	task [dreg:s7], $0x5FFFF  }
0xac: {  	[dreg:$0x1] =	wrdreg $0xFFFFFFFF  }
0xad: {  	[dreg:$0x0] =	wrdreg $0x60  }
0xae: {  	[dreg:$0x2] =	wrdreg s24  }
0xaf: {  	[dreg:$0x3] =	wrdreg s2  }
0xb0: {  	[dreg:$0x4] =	wrdreg $0x9  }
0xb1: {  	_ =	task.clear_ibuf [dreg:s7], $0x5FFFF;
	_ =	strace $0x90000046  }
0xb2: {  	s29 =	simm.s32 $0x9;
	_ =	strace $0x80000048  }
0xb3: {  	_ =	swait.ge [sflag:s29], $0x1  }
0xb4: {  	[sflag:s29] =	ssyncadd.s32 $0xFFFFFFFF  }
0xb5: {  	_ =	strace $0x90000048  }
0xb6: {  	_ =	sfence  }
0xb7: {  	s30 =	sld [smem:$0x0];
	_ =	sdelay $0x2  }
0xb8: {  	s31 =	sshll.u32 s1, $0xD;
	s1 =	sshrl.u32 s1, $0x2  }
0xb9: {  	s3 =	sand.u32 $0x4000, s31;
	s1 =	sadd.s32 s1, s30  }
0xba: {  	s0 =	sor.u32 s3, s0;
	s1 =	sshll.u32 s1, $0x11  }
0xbb: {  	s0 =	sor.u32 s1, s0  }
0xbc: {  	s0 =	sadd.s32 $0x8F2B, s0  }
0xbd: {  	[sflag:s0] =	ssyncadd.remote.s32 $0x1  }
0xbe: {  	_ =	sfence.sel $0xFFFF  }
0xbf: {  	[dreg:$0x0] =	wrdreg $0xFFFFFFFF;
	(pc) =	sbr.abs _section_cstart, $3  }
0xc0: {  	[dreg:$0x1] =	wrdreg $0xFFFFFFFF  }
0xc1: {  	_ =	task.clear_ibuf [dreg:s7], $0x2FFFF;
	_ =	strace $0x9FFFFFFF  }
0xc2: {  	(tm) =	ssettm $0x7FFFFFFF  }
0xc3: {  	_ =	shalt  }
tec
execute0_lowered:
.L_overlay_start_1:
0x0: {  	(tag) =	ssettag $0x1  }
0x1: {  	s2 =	rddreg [dreg:$0x0]  }
0x2: {  	s3 =	rddreg [dreg:$0x1]  }
0x3: {  	s0 =	rddreg [dreg:$0x2];
	s1 =	srdreg.scid;
	_ =	strace $0x80000047  }
0x4: {  	s4 =	simm.s32 $0x1;
	s9 =	simm.s32 $0x3;
	s5 =	sshll.u32 s1, $0x4  }
.Ltmp0:
0x5: {  	s1 =	stileid.u32;
	s5 =	sand.u32 $0x10, s5;
	(pc) =	sbr.rel .LBB2_1-.Ltmp0, $4  }
0x6: {  	s12 =	simm.s32 $0x0;
	s10 =	simm.s32 $0x0;
	s6 =	sor.u32 s1, s5  }
0x7: {  	[sflag:s4] =	ssyncpa.u1 $0x0;
	s5 =	simm.s32 $0x2;
	s6 =	sshll.u32 s6, $0x8  }
0x8: {  	s7 =	sadd.s32 $0x20000, s2;
	[sflag:s5] =	ssyncpa.u1 $0x0;
	s8 =	sadd.s32 $0x100, s6  }
0x9: {  	vm0 =	vmmov $0xff;
	vm1 =	vcmask $0x3F20;
	[sflag:s9] =	ssyncpa.u1 $0x0;
	s9 =	simm.s32 $0x100;
	s11 =	smov.u32 s6  }
.LBB2_9:
0xa: {  	p0 =	seq.s32 s10, $0x2  }
.Ltmp1:
0xb: {  	_ = 	snop;
	(pc) =	sbr.rel @p0 .LBB2_11-.Ltmp1, $1  }
0xc: {  	_ =	sdelay $0x3  }
.LBB2_10:
0xd: {  	s12 =	sadd.s32 $0x100, s11  }
0xe: {  	s13 =	smov.u32 s6;
	p0 =	slt.s32 s12, s8  }
0xf: {  	s13 =	smov.u32 @p0 s12  }
0x10: {  	s10 =	sadd.s32 $0x1, s10;
	s12 =	smov.u32 s11;
	s11 =	smov.u32 s13  }
.LBB2_1:
0x11: {  	p0 =	sne.s32 s10, $0x0  }
.Ltmp2:
0x12: {  	_ = 	snop;
	(pc) =	sbr.rel @!p0 .LBB2_2-.Ltmp2, $1  }
0x13: {  	_ =	sdelay $0x3  }
0x14: {  	s13 =	sand.u32 $0x1, s10  }
0x15: {  	p0 =	seq.s32 s13, $0x0  }
.Ltmp3:
0x16: {  	_ = 	snop;
	(pc) =	sbr.rel @p0 .LBB2_9-.Ltmp3, $1  }
0x17: {  	_ =	sdelay $0x3  }
0x18: {  	_ =	swait.ge [sflag:s5], $0x100  }
0x19: {  	[sflag:s5] =	ssyncset.done $0x0  }
0x1a: {  	s13 =	simm.s32 $0x0;
	[sflag:s5] =	ssyncadd.s32 $0xFFFFFF00  }
0x1b: {  	v0 =	vld.msk [tilespmem:s13+$0x100 ss:$0x1], $0xffff;
	_ =	sdelay $0x4  }
0x1c: {  	v1 =	vshll.u32 v0, $0x6  }
0x1d: {  	vm2 =	veq.s32 v0, $0x80000000;
	v0 =	vshll.u32 v0, $0x13;
	v1 =	vand.u32 $0x7FF80, v1  }
0x1e: {  	v0 =	vand.u32 $0x80000, v0;
	v1 =	vsel vm2, $0xFFFFFF80, v1  }
0x1f: {  	v0 =	vsel vm2, $0xFFF80000, v0;
	v2 =	vand.u32 $0xFFFFFC00, v1  }
0x20: {  	v1 =	vand.u32 $0x380, v1;
	v0 =	vadd.s32 v0, v2  }
0x21: {  	v0 =	vor.u32 v1, v0  }
0x22: {  	v0 =	vshrl.u32 v0, $0x3;
	_ =	sdelay $0x3  }
0x23: {  	s13 =	simm.s32 $0x8200  }
0x24: {  	[tilespmem:s13], [sflag:$0x1] =	stream.indirect_vreg.gather [hbm:s2], $0x80, v0, vm0, $0x38;
	[tilespmem:$0x10200] =	vst v63  }
0x25: {  	s14 =	simm.s32 $0x8600;
	s31 =	simm.s32 $0x10  }
0x26: {  	[tilespmem:s14], [sflag:$0x1] =	stream.indirect_vreg.gather [hbm:s2], $0x80, v0, vm1, $0x38;
	[tilespmem:$0x10200] =	vst v63  }
0x27: {  	s14 =	simm.s32 $0x80;
	v0 =	vld.msk [tilespmem:s31+$0x100 ss:$0x1], $0xffff  }
.LBB2_5:
0x28: {  	p0 =	sne.s32 s14, $0x3C0;
	_ =	sdelay $0x4  }
0x29: {  	v1 =	vshll.u32 v0, $0x6  }
0x2a: {  	vm2 =	veq.s32 v0, $0x80000000;
	v0 =	vshll.u32 v0, $0x13;
	v1 =	vand.u32 $0x7FF80, v1  }
0x2b: {  	v0 =	vand.u32 $0x80000, v0;
	v1 =	vsel vm2, $0xFFFFFF80, v1  }
0x2c: {  	v0 =	vsel vm2, $0xFFF80000, v0;
	v2 =	vand.u32 $0xFFFFFC00, v1  }
0x2d: {  	v1 =	vand.u32 $0x380, v1;
	v0 =	vadd.s32 v0, v2  }
0x2e: {  	v0 =	vor.u32 v1, v0  }
0x2f: {  	v0 =	vshrl.u32 v0, $0x3;
	_ =	sdelay $0x3  }
.Ltmp4:
0x30: {  	s13 =	sadd.s32 $0x800, s13;
	(pc) =	sbr.rel @p0 .LBB2_5-.Ltmp4, $4  }
0x31: {  	[tilespmem:s13], [sflag:$0x1] =	stream.indirect_vreg.gather [hbm:s2], $0x80, v0, vm0, $0x38;
	[tilespmem:$0x10200] =	vst v63  }
0x32: {  	s15 =	sshra.s32 s14, $0x2;
	s16 =	sadd.s32 $0x400, s13  }
0x33: {  	[tilespmem:s16], [sflag:$0x1] =	stream.indirect_vreg.gather [hbm:s2], $0x80, v0, vm1, $0x38;
	[tilespmem:$0x10200] =	vst v63  }
0x34: {  	s14 =	sadd.s32 $0x40, s14;
	v0 =	vld.msk [tilespmem:s15+$0x100 ss:$0x1], $0xffff  }
0x35: {  	_ =	sdelay $0x3  }
0x36: {  	v1 =	vshll.u32 v0, $0x6  }
0x37: {  	vm2 =	veq.s32 v0, $0x80000000;
	v63 =	vshll.u32 v0, $0x13;
	v1 =	vand.u32 $0x7FF80, v1  }
0x38: {  	v0 =	vand.u32 $0x80000, v63;
	v1 =	vsel vm2, $0xFFFFFF80, v1  }
0x39: {  	v0 =	vsel vm2, $0xFFF80000, v0;
	v2 =	vand.u32 $0xFFFFFC00, v1  }
0x3a: {  	v1 =	vand.u32 $0x380, v1;
	v0 =	vadd.s32 v0, v2  }
0x3b: {  	v0 =	vor.u32 v1, v0  }
0x3c: {  	v0 =	vshrl.u32 v0, $0x3;
	_ =	sdelay $0x3  }
0x3d: {  	s13 =	sadd.s32 $0x800, s13  }
0x3e: {  	[tilespmem:s13], [sflag:$0x1] =	stream.indirect_vreg.gather [hbm:s2], $0x80, v0, vm0, $0x38;
	[tilespmem:$0x10200] =	vst v63  }
0x3f: {  	s13 =	sadd.s32 $0x400, s13  }
0x40: {  	[tilespmem:s13], [sflag:$0x1] =	stream.indirect_vreg.gather [hbm:s2], $0x80, v0, vm1, $0x38;
	[tilespmem:$0x10200] =	vst v63  }
0x41: {  	s12 =	sshll.u32 s12, $0x4;
	s14 =	simm.s32 $0x80;
	_ =	swait.ge [sflag:s4], $0x8000  }
0x42: {  	s15 =	simm.s32 $0x8600;
	s12 =	sadd.s32 s12, s7;
	[sflag:s4] =	ssyncset.done $0x0  }
0x43: {  	s16 =	sadd.s32 $0x0, s12;
	s13 =	simm.s32 $0x8200;
	[sflag:s4] =	ssyncadd.s32 $0xFFFF8000  }
.LBB2_7:
0x44: {  	[hbm:s16] =	stream.linear.scatter [tilespmem:s13], [sflag:$0x3], $0x400, $0x38;
	[tilespmem:$0x10200] =	vst v63  }
0x45: {  	s16 =	smov.u32 s14;
	s13 =	smov.u32 s15;
	p0 =	sne.s32 s14, $0xF80  }
.Ltmp5:
0x46: {  	s14 =	sadd.s32 $0x80, s14;
	(pc) =	sbr.rel @p0 .LBB2_7-.Ltmp5, $2  }
0x47: {  	_ =	sdelay $0x2  }
0x48: {  	s15 =	sadd.s32 $0x400, s15;
	s16 =	sadd.s32 s16, s12  }
.Ltmp6:
0x49: {  	(pc) =	sbr.rel .LBB2_9-.Ltmp6, $2  }
0x4a: {  	_ =	sdelay $0x2  }
0x4b: {  	[hbm:s16] =	stream.linear.scatter [tilespmem:s13], [sflag:$0x3], $0x400, $0x38;
	[tilespmem:$0x10200] =	vst v63  }
.LBB2_2:
.Ltmp7:
0x4c: {  	(pc) =	sbr.rel .LBB2_10-.Ltmp7, $4  }
0x4d: {  	_ = 	snop  }
0x4e: {  	s12 =	sshrl.u32 s11, $0x3  }
0x4f: {  	s13 =	sand.u32 $0x7, s11;
	s12 =	sadd.s32 s3, s12  }
0x50: {  	[tilespmem:s9], [sflag:$0x2] =	stream.linear.gather [hbm4b:s12+s13], $0x100, $0x38;
	[tilespmem:$0x10200] =	vst v63  }
.LBB2_11:
0x51: {  	s2 =	simm.s32 $0x3  }
0x52: {  	_ =	swait.ge [sflag:s2], $0x8000  }
0x53: {  	[sflag:s2] =	ssyncset.done $0x0  }
0x54: {  	[sflag:s2] =	ssyncadd.s32 $0xFFFF8000  }
0x55: {  	_ =	sfence.sel $0x180000  }
0x56: {  	s3 =	simm.s32 $0x2;
	[bflag:$0x0] =	sbarrier.arrive $0xFFFF  }
0x57: {  	[sflag:s3] =	ssyncpa.u1 $0x1  }
0x58: {  	s31 =	simm.s32 $0x1;
	[sflag:s2] =	ssyncpa.u1 $0x1  }
0x59: {  	[sflag:s31] =	ssyncpa.u1 $0x1  }
0x5a: {  	p0 =	sne.s32 s1, $0x0;
	_ =	strace $0x90000047  }
0x5b: {  	s0 =	sadd.s32 @!p0 $0x100000, s0;
	[bflag:$0x2] =	sbarrier.arrive $0xFFFF  }
0x5c: {  	[sflag:s0] =	ssyncadd.tile.s32 @!p0 $0x1;
	_ =	shalt  }
.Lfunc_end2:
_tile_overlayer_lowered:
.L_overlay_start_2:
0x5d: {  	(tag) =	ssettag $0x2  }
0x5e: {  	s0 =	rddreg [dreg:$0x0];
	s2 =	stileid.u32  }
0x5f: {  	s1 =	rddreg [dreg:$0x1];
	p0 =	sne.s32 s2, $0x0  }
0x60: {  	s3 =	rddreg [dreg:$0x2];
	[bflag:$0x3] =	sbarrier.arrive $0xFFFF;
	s2 =	simm.s32 @!p0 $0x1C01  }
0x61: {  	[timem:s3], [sflag:s2] =	dma.local @!p0 [hbm:s0], s1  }
0x62: {  	s0 =	simm.s32 @!p0 $0x1  }
0x63: {  	_ =	swait.ge @!p0 [sflag:s0], s1  }
0x64: {  	s1 =	ssub.s32 @!p0 $0x0, s1;
	[sflag:s0] =	ssyncset.done @!p0 $0x0  }
0x65: {  	[sflag:s0] =	ssyncadd.s32 @!p0 s1  }
0x66: {  	[bflag:$0x3] =	sbarrier.arrive $0xFFFF  }
0x67: {  	_ =	shalt  }

</sc_bundles>
